<compile_context>
chip_gen: v7x
topology: tpu7x:2x2x1
jax: 0.10.2.dev20260603
libtpu: 0.0.44.dev20260713+nightly
codegen_flags: <defaults>
</compile_context>

<pallas_src>
import functools

import jax
import jax.numpy as jnp
from jax import lax
from jax.experimental import pallas as pl
from jax.experimental.pallas import tpu as pltpu
from jax.experimental.pallas import tpu_sc as plsc

N_NODES = 100000
N_EDGES = 3200000
F_EDGE = 24
IN_FEATS = 128
OUT_FEATS = 128

NC = 2
NS = 16
HALF = N_NODES // NC
ACC_ROWS = 50048
ZERO_PER_TILE = ACC_ROWS // NS

E_PER_TILE = N_EDGES // NS
CHUNK = 2000
N_CHUNKS = E_PER_TILE // CHUNK
MB = 80
NMB = CHUNK // MB


def _segsum_body(em_hbm, dst_hbm, out_hbm, idx_buf, row_buf, lidx_buf, acc):
    c = lax.axis_index("c")
    s = lax.axis_index("s")
    if True:
        base = c * HALF

        zeros16 = jnp.zeros((16,), jnp.float32)

        def zrow(i, _):
            row_buf[i, pl.ds(0, 16)] = zeros16
            row_buf[i, pl.ds(8, 16)] = zeros16
            return 0

        lax.fori_loop(0, CHUNK, zrow, 0)
        z0 = s * ZERO_PER_TILE
        pltpu.sync_copy(row_buf, acc.at[pl.ds(z0, CHUNK), :])
        pltpu.sync_copy(row_buf.at[pl.ds(0, ZERO_PER_TILE - CHUNK), :],
                        acc.at[pl.ds(z0 + CHUNK, ZERO_PER_TILE - CHUNK), :])
        plsc.subcore_barrier()

        tile_base = s * E_PER_TILE

        def chunk_body(k, _):
            start = tile_base + k * CHUNK
            pltpu.sync_copy(dst_hbm.at[pl.ds(start, CHUNK)], idx_buf)
            pltpu.sync_copy(em_hbm.at[pl.ds(start, CHUNK), :], row_buf)

            def remap(g, _):
                j = g // (MB // 16)
                i = g % (MB // 16)
                v = idx_buf[pl.ds(g * 16, 16)]
                li = v - base
                ok = (li >= 0) & (li < HALF)
                lidx_buf[j, pl.ds(i * 16, 16)] = jnp.where(ok, li, HALF)
                return 0

            lax.fori_loop(0, CHUNK // 16, remap, 0)

            def scat(j, _):
                pltpu.sync_copy(row_buf.at[pl.ds(j * MB, MB), :],
                                acc.at[lidx_buf.at[j]], add=True)
                return 0

            lax.fori_loop(0, NMB, scat, 0)
            return 0

        lax.fori_loop(0, N_CHUNKS, chunk_body, 0)
        plsc.subcore_barrier()

        @pl.when(s < NS - 1)
        def _():
            r0 = s * 3200
            pltpu.sync_copy(acc.at[pl.ds(r0, 3200), :],
                            out_hbm.at[pl.ds(c * HALF + r0, 3200), :])

        @pl.when(s == NS - 1)
        def _():
            r0 = (NS - 1) * 3200
            pltpu.sync_copy(acc.at[pl.ds(r0, 2000), :],
                            out_hbm.at[pl.ds(c * HALF + r0, 2000), :])


@functools.partial(
    pl.kernel,
    out_type=jax.ShapeDtypeStruct((N_NODES, F_EDGE), jnp.float32),
    mesh=plsc.VectorSubcoreMesh(core_axis_name="c", subcore_axis_name="s",
                                num_cores=NC, num_subcores=NS),
    scratch_types=[
        pltpu.VMEM((CHUNK,), jnp.int32),
        pltpu.VMEM((CHUNK, F_EDGE), jnp.float32),
        pltpu.VMEM((NMB, MB), jnp.int32),
        pltpu.VMEM_SHARED((ACC_ROWS, F_EDGE), jnp.float32),
    ],
    compiler_params=pltpu.CompilerParams(use_tc_tiling_on_sc=False),
)
def _segment_sum_sc(em_hbm, dst_hbm, out_hbm, idx_buf, row_buf, lidx_buf, acc):
    _segsum_body(em_hbm, dst_hbm, out_hbm, idx_buf, row_buf, lidx_buf, acc)


ROWS_BLK = 2000


def _dense_body(h_ref, ah_ref, nrm_ref, w1_ref, w2_ref, b_ref, g_ref, lb_ref,
                o_ref):
    x = jnp.dot(h_ref[...], w1_ref[...], preferred_element_type=jnp.float32)
    ahn = ah_ref[...] * nrm_ref[...]
    x = x + jnp.dot(ahn, w2_ref[...], preferred_element_type=jnp.float32)
    x = x + b_ref[...]
    mean = jnp.mean(x, axis=1, keepdims=True)
    xc = x - mean
    var = jnp.mean(xc * xc, axis=1, keepdims=True)
    y = xc * lax.rsqrt(var + 1e-5) * g_ref[...] + lb_ref[...]
    o_ref[...] = jnp.maximum(y, 0.0)


def _dense_tc(h, ah, norm, w1t, w2t, b2, g2, lb2):
    grid = (N_NODES // ROWS_BLK,)
    return pl.pallas_call(
        _dense_body,
        grid=grid,
        in_specs=[
            pl.BlockSpec((ROWS_BLK, IN_FEATS), lambda i: (i, 0)),
            pl.BlockSpec((ROWS_BLK, F_EDGE), lambda i: (i, 0)),
            pl.BlockSpec((ROWS_BLK, 1), lambda i: (i, 0)),
            pl.BlockSpec((IN_FEATS, OUT_FEATS), lambda i: (0, 0)),
            pl.BlockSpec((F_EDGE, OUT_FEATS), lambda i: (0, 0)),
            pl.BlockSpec((1, OUT_FEATS), lambda i: (0, 0)),
            pl.BlockSpec((1, OUT_FEATS), lambda i: (0, 0)),
            pl.BlockSpec((1, OUT_FEATS), lambda i: (0, 0)),
        ],
        out_specs=pl.BlockSpec((ROWS_BLK, OUT_FEATS), lambda i: (i, 0)),
        out_shape=jax.ShapeDtypeStruct((N_NODES, OUT_FEATS), jnp.float32),
    )(h, ah, norm, w1t, w2t, b2, g2, lb2)


def kernel(h, edge_m, norm, edge_index, W, b, ln_g, ln_b):
    dst = edge_index[1].astype(jnp.int32)
    ah = _segment_sum_sc(edge_m, dst)
    w1t = W[:, :IN_FEATS].T
    w2t = W[:, IN_FEATS:].T
    return _dense_tc(h, ah, norm, w1t, w2t,
                     b.reshape(1, -1), ln_g.reshape(1, -1),
                     ln_b.reshape(1, -1))

# --- scband reference (transcript-rebuilt; emitter-appended) ---
"""Pipeline reference for scband-gcn-layer-32753420599856 (READ-ONLY COPY).

The authoritative reference and input builder live on the scoring server;
editing this copy changes nothing except your own understanding.
"""

import jax, jax.numpy as jnp
import numpy as np

N_NODES = 100000
N_EDGES = 3200000
IN_FEATS = 128
ADDED = 24
OUT_FEATS = 128


def setup_inputs(seed: int = 0) -> dict:
    key = jax.random.key(seed)
    k1, k2, k3, k4, k5, k6 = jax.random.split(key, 6)
    h = jax.random.normal(k1, (N_NODES, IN_FEATS), dtype=jnp.float32)
    edge_m = jax.random.normal(k2, (N_EDGES, ADDED), dtype=jnp.float32)
    norm = jax.random.uniform(k3, (N_NODES, 1), dtype=jnp.float32)
    edge_index = jax.random.randint(k4, (2, N_EDGES), 0, N_NODES, dtype=jnp.int64)
    # learned parameters (linear init per reset_parameters: uniform(-stdv, stdv))
    stdv = 1.0 / np.sqrt(IN_FEATS + ADDED)
    W = jax.random.uniform(k5, (OUT_FEATS, IN_FEATS + ADDED), dtype=jnp.float32, minval=-stdv, maxval=stdv)
    b = jax.random.uniform(k6, (OUT_FEATS,), dtype=jnp.float32, minval=-stdv, maxval=stdv)
    ln_g = jnp.ones((OUT_FEATS,), dtype=jnp.float32)
    ln_b = jnp.zeros((OUT_FEATS,), dtype=jnp.float32)
    return {"h": h, "edge_m": edge_m, "norm": norm, "edge_index": edge_index,
            "W": W, "b": b, "ln_g": ln_g, "ln_b": ln_b}


def reference(h, edge_m, norm, edge_index, W, b, ln_g, ln_b):
    # g.send_and_recv(edges, copy_e('m','h'), sum('h','sum_h')):
    # scatter-add edge messages into destination nodes
    dst = edge_index[1]
    ah = jax.ops.segment_sum(edge_m, dst, num_segments=h.shape[0])
    # concat(h, ah, norm): ah = ah * norm; h = cat(h, ah)
    ah = ah * norm
    x = jnp.concatenate([h, ah], axis=1)
    # linear
    x = x @ W.T + b
    # LayerNorm(out_feats, elementwise_affine=True), eps=1e-5, biased variance
    mean = jnp.mean(x, axis=-1, keepdims=True)
    var = jnp.var(x, axis=-1, keepdims=True)
    x = (x - mean) / jnp.sqrt(var + 1e-5) * ln_g + ln_b
    # activation
    x = jax.nn.relu(x)
    return x

if __name__ == "__main__":
    import jax
    _d = setup_inputs()
    print(jax.jit(kernel)(*tuple(_d.values())))

</pallas_src>

<mosaic_0001>
#map = affine_map<(d0, d1) -> (0, 0)>
#map1 = affine_map<(d0, d1) -> (0)>
module attributes {stable_mosaic.version = 14 : i64} {
  func.func @_segment_sum_sc(%arg0: i32, %arg1: i32, %arg2: memref<3200000x24xf32, #tpu.memory_space<hbm>>, %arg3: memref<3200000xi32, #tpu.memory_space<hbm>>, %arg4: memref<100000x24xf32, #tpu.memory_space<hbm>>, %arg5: memref<2000xi32, #tpu.memory_space<vmem>>, %arg6: memref<2000x24xf32, #tpu.memory_space<vmem>>, %arg7: memref<25x80xi32, #tpu.memory_space<vmem>>, %arg8: memref<50048x24xf32, #tpu.memory_space<vmem_shared>>) attributes {dimension_semantics = [#tpu.dimension_semantics<core_parallel>, #tpu.dimension_semantics<subcore_parallel>], iteration_bounds = array<i64: 2, 16>, scalar_prefetch = 0 : i64, scratch_operands = 4 : i64, tpu.core_type = #tpu.core_type<sc_vector_subcore>, window_params = [{transform_indices = #map}, {transform_indices = #map1}, {transform_indices = #map}]} {
    %mul3A = arith.constant 50000 : i32
    %mul3A_0 = arith.muli %arg0, %mul3A : i32
    %broadcast_in_dim3A = arith.constant 0.000000e+00 : f32
    %broadcast_in_dim3A_1 = vector.broadcast %broadcast_in_dim3A : f32 to vector<16xf32>
    %scan3A = arith.constant 0 : i32
    %scan3A_2 = arith.constant 0 : i32
    %scan3A_3 = arith.constant 2000 : i32
    %scan3A_4 = arith.addi %scan3A_2, %scan3A_3 : i32
    %scan3A_5 = arith.constant 1 : i32
    %scan3A_6 = scf.for %scan3A_27 = %scan3A_2 to %scan3A_4 step %scan3A_5 iter_args(%scan3A_28 = %scan3A) -> (i32)  : i32 {
      %swap3A = arith.index_cast %scan3A_27 : i32 to index
      %swap3A_29 = arith.constant 0 : index
      %swap3A_30 = tpu.vector_load %arg6[%swap3A, %swap3A_29] {strides = array<i32>} : memref<2000x24xf32, #tpu.memory_space<vmem>>, vector<1x16xf32>,
      %swap3A_31 = vector.shape_cast %swap3A_30 : vector<1x16xf32> to vector<16xf32>
      %swap3A_32 = vector.shape_cast %broadcast_in_dim3A_1 : vector<16xf32> to vector<1x16xf32>
      tpu.vector_store %arg6[%swap3A, %swap3A_29], %swap3A_32 {strides = array<i32>} : memref<2000x24xf32, #tpu.memory_space<vmem>>, vector<1x16xf32>,
      %swap3A_33 = arith.index_cast %scan3A_27 : i32 to index
      %swap3A_34 = arith.constant 8 : index
      %swap3A_35 = tpu.vector_load %arg6[%swap3A_33, %swap3A_34] {strides = array<i32>} : memref<2000x24xf32, #tpu.memory_space<vmem>>, vector<1x16xf32>,
      %swap3A_36 = vector.shape_cast %swap3A_35 : vector<1x16xf32> to vector<16xf32>
      %swap3A_37 = vector.shape_cast %broadcast_in_dim3A_1 : vector<16xf32> to vector<1x16xf32>
      tpu.vector_store %arg6[%swap3A_33, %swap3A_34], %swap3A_37 {strides = array<i32>} : memref<2000x24xf32, #tpu.memory_space<vmem>>, vector<1x16xf32>,
      %scan3A_38 = arith.constant 0 : i32
      scf.yield %scan3A_38 : i32
    }
    %scan3A_7 = arith.constant 2000 : i32
    %mul3A_8 = arith.constant 3128 : i32
    %mul3A_9 = arith.muli %arg1, %mul3A_8 : i32
    "tpu.region"() ({
      %run_scoped3A = tpu.sem_alloc : memref<!tpu.dma_semaphore, #tpu.memory_space<semaphore_mem>>
      %dma_start3A = arith.constant 0 : i32
      %dma_start3A_27 = tpu.memref_slice %arg8[%mul3A_9, %dma_start3A] : memref<50048x24xf32, #tpu.memory_space<vmem_shared>> -> memref<2000x24xf32, #tpu.memory_space<vmem_shared>>
      %dma_start3A_28 = arith.constant 0 : i32
      %dma_start3A_29 = tpu.memref_slice %arg8[%mul3A_9, %dma_start3A_28] : memref<50048x24xf32, #tpu.memory_space<vmem_shared>> -> memref<2000x24xf32, #tpu.memory_space<vmem_shared>>
      tpu.enqueue_dma source(%arg6 : memref<2000x24xf32, #tpu.memory_space<vmem>>) target(%dma_start3A_29 : memref<2000x24xf32, #tpu.memory_space<vmem_shared>>) target_semaphore(%run_scoped3A : memref<!tpu.dma_semaphore, #tpu.memory_space<semaphore_mem>>)
      %dma_wait3A = arith.constant 0 : i32
      %dma_wait3A_30 = tpu.memref_slice %arg8[%mul3A_9, %dma_wait3A] : memref<50048x24xf32, #tpu.memory_space<vmem_shared>> -> memref<2000x24xf32, #tpu.memory_space<vmem_shared>>
      %dma_wait3A_31 = arith.constant 0 : i32
      %dma_wait3A_32 = tpu.memref_slice %arg8[%mul3A_9, %dma_wait3A_31] : memref<50048x24xf32, #tpu.memory_space<vmem_shared>> -> memref<2000x24xf32, #tpu.memory_space<vmem_shared>>
      tpu.wait_dma2 semaphore(%run_scoped3A : memref<!tpu.dma_semaphore, #tpu.memory_space<semaphore_mem>>) src(%arg6 : memref<2000x24xf32, #tpu.memory_space<vmem>>) dst(%dma_wait3A_32 : memref<2000x24xf32, #tpu.memory_space<vmem_shared>>)
      tpu.yield
    }) : () -> ()
    %add3A = arith.constant 2000 : i32
    %add3A_10 = arith.addi %mul3A_9, %add3A : i32
    "tpu.region"() ({
      %run_scoped3A = tpu.sem_alloc : memref<!tpu.dma_semaphore, #tpu.memory_space<semaphore_mem>>
      %dma_start3A = arith.constant 0 : i32
      %dma_start3A_27 = arith.constant 0 : i32
      %dma_start3A_28 = tpu.memref_slice %arg6[%dma_start3A, %dma_start3A_27] : memref<2000x24xf32, #tpu.memory_space<vmem>> -> memref<1128x24xf32, #tpu.memory_space<vmem>>
      %dma_start3A_29 = arith.constant 0 : i32
      %dma_start3A_30 = tpu.memref_slice %arg8[%add3A_10, %dma_start3A_29] : memref<50048x24xf32, #tpu.memory_space<vmem_shared>> -> memref<1128x24xf32, #tpu.memory_space<vmem_shared>>
      %dma_start3A_31 = arith.constant 0 : i32
      %dma_start3A_32 = tpu.memref_slice %arg8[%add3A_10, %dma_start3A_31] : memref<50048x24xf32, #tpu.memory_space<vmem_shared>> -> memref<1128x24xf32, #tpu.memory_space<vmem_shared>>
      %dma_start3A_33 = arith.constant 0 : i32
      %dma_start3A_34 = arith.constant 0 : i32
      %dma_start3A_35 = tpu.memref_slice %arg6[%dma_start3A_33, %dma_start3A_34] : memref<2000x24xf32, #tpu.memory_space<vmem>> -> memref<1128x24xf32, #tpu.memory_space<vmem>>
      tpu.enqueue_dma source(%dma_start3A_35 : memref<1128x24xf32, #tpu.memory_space<vmem>>) target(%dma_start3A_32 : memref<1128x24xf32, #tpu.memory_space<vmem_shared>>) target_semaphore(%run_scoped3A : memref<!tpu.dma_semaphore, #tpu.memory_space<semaphore_mem>>)
      %dma_wait3A = arith.constant 0 : i32
      %dma_wait3A_36 = arith.constant 0 : i32
      %dma_wait3A_37 = tpu.memref_slice %arg6[%dma_wait3A, %dma_wait3A_36] : memref<2000x24xf32, #tpu.memory_space<vmem>> -> memref<1128x24xf32, #tpu.memory_space<vmem>>
      %dma_wait3A_38 = arith.constant 0 : i32
      %dma_wait3A_39 = tpu.memref_slice %arg8[%add3A_10, %dma_wait3A_38] : memref<50048x24xf32, #tpu.memory_space<vmem_shared>> -> memref<1128x24xf32, #tpu.memory_space<vmem_shared>>
      %dma_wait3A_40 = arith.constant 0 : i32
      %dma_wait3A_41 = tpu.memref_slice %arg8[%add3A_10, %dma_wait3A_40] : memref<50048x24xf32, #tpu.memory_space<vmem_shared>> -> memref<1128x24xf32, #tpu.memory_space<vmem_shared>>
      %dma_wait3A_42 = arith.constant 0 : i32
      %dma_wait3A_43 = arith.constant 0 : i32
      %dma_wait3A_44 = tpu.memref_slice %arg6[%dma_wait3A_42, %dma_wait3A_43] : memref<2000x24xf32, #tpu.memory_space<vmem>> -> memref<1128x24xf32, #tpu.memory_space<vmem>>
      tpu.wait_dma2 semaphore(%run_scoped3A : memref<!tpu.dma_semaphore, #tpu.memory_space<semaphore_mem>>) src(%dma_wait3A_44 : memref<1128x24xf32, #tpu.memory_space<vmem>>) dst(%dma_wait3A_41 : memref<1128x24xf32, #tpu.memory_space<vmem_shared>>)
      tpu.yield
    }) : () -> ()
    %barrier3A = arith.constant 0 : index
    tpu.barrier barrier_id(%barrier3A)
    %mul3A_11 = arith.constant 200000 : i32
    %mul3A_12 = arith.muli %arg1, %mul3A_11 : i32
    %scan3A_13 = arith.constant 0 : i32
    %scan3A_14 = arith.constant 0 : i32
    %scan3A_15 = arith.constant 100 : i32
    %scan3A_16 = arith.addi %scan3A_14, %scan3A_15 : i32
    %scan3A_17 = arith.constant 1 : i32
    %scan3A_18 = scf.for %scan3A_27 = %scan3A_14 to %scan3A_16 step %scan3A_17 iter_args(%scan3A_28 = %scan3A_13) -> (i32)  : i32 {
      %mul3A_29 = arith.constant 2000 : i32
      %mul3A_30 = arith.muli %scan3A_27, %mul3A_29 : i32
      %add3A_31 = arith.addi %mul3A_12, %mul3A_30 : i32
      "tpu.region"() ({
        %run_scoped3A = tpu.sem_alloc : memref<!tpu.dma_semaphore, #tpu.memory_space<semaphore_mem>>
        %dma_start3A = tpu.memref_slice %arg3[%add3A_31] : memref<3200000xi32, #tpu.memory_space<hbm>> -> memref<2000xi32, #tpu.memory_space<hbm>>
        %dma_start3A_47 = tpu.memref_slice %arg3[%add3A_31] : memref<3200000xi32, #tpu.memory_space<hbm>> -> memref<2000xi32, #tpu.memory_space<hbm>>
        tpu.enqueue_dma source(%dma_start3A_47 : memref<2000xi32, #tpu.memory_space<hbm>>) target(%arg5 : memref<2000xi32, #tpu.memory_space<vmem>>) target_semaphore(%run_scoped3A : memref<!tpu.dma_semaphore, #tpu.memory_space<semaphore_mem>>)
        %dma_wait3A = tpu.memref_slice %arg3[%add3A_31] : memref<3200000xi32, #tpu.memory_space<hbm>> -> memref<2000xi32, #tpu.memory_space<hbm>>
        %dma_wait3A_48 = tpu.memref_slice %arg3[%add3A_31] : memref<3200000xi32, #tpu.memory_space<hbm>> -> memref<2000xi32, #tpu.memory_space<hbm>>
        tpu.wait_dma2 semaphore(%run_scoped3A : memref<!tpu.dma_semaphore, #tpu.memory_space<semaphore_mem>>) src(%dma_wait3A_48 : memref<2000xi32, #tpu.memory_space<hbm>>) dst(%arg5 : memref<2000xi32, #tpu.memory_space<vmem>>)
        tpu.yield
      }) : () -> ()
      "tpu.region"() ({
        %run_scoped3A = tpu.sem_alloc : memref<!tpu.dma_semaphore, #tpu.memory_space<semaphore_mem>>
        %dma_start3A = arith.constant 0 : i32
        %dma_start3A_47 = tpu.memref_slice %arg2[%add3A_31, %dma_start3A] : memref<3200000x24xf32, #tpu.memory_space<hbm>> -> memref<2000x24xf32, #tpu.memory_space<hbm>>
        %dma_start3A_48 = arith.constant 0 : i32
        %dma_start3A_49 = tpu.memref_slice %arg2[%add3A_31, %dma_start3A_48] : memref<3200000x24xf32, #tpu.memory_space<hbm>> -> memref<2000x24xf32, #tpu.memory_space<hbm>>
        tpu.enqueue_dma source(%dma_start3A_49 : memref<2000x24xf32, #tpu.memory_space<hbm>>) target(%arg6 : memref<2000x24xf32, #tpu.memory_space<vmem>>) target_semaphore(%run_scoped3A : memref<!tpu.dma_semaphore, #tpu.memory_space<semaphore_mem>>)
        %dma_wait3A = arith.constant 0 : i32
        %dma_wait3A_50 = tpu.memref_slice %arg2[%add3A_31, %dma_wait3A] : memref<3200000x24xf32, #tpu.memory_space<hbm>> -> memref<2000x24xf32, #tpu.memory_space<hbm>>
        %dma_wait3A_51 = arith.constant 0 : i32
        %dma_wait3A_52 = tpu.memref_slice %arg2[%add3A_31, %dma_wait3A_51] : memref<3200000x24xf32, #tpu.memory_space<hbm>> -> memref<2000x24xf32, #tpu.memory_space<hbm>>
        tpu.wait_dma2 semaphore(%run_scoped3A : memref<!tpu.dma_semaphore, #tpu.memory_space<semaphore_mem>>) src(%dma_wait3A_52 : memref<2000x24xf32, #tpu.memory_space<hbm>>) dst(%arg6 : memref<2000x24xf32, #tpu.memory_space<vmem>>)
        tpu.yield
      }) : () -> ()
      %scan3A_32 = arith.constant 0 : i32
      %scan3A_33 = arith.constant 0 : i32
      %scan3A_34 = arith.constant 125 : i32
      %scan3A_35 = arith.addi %scan3A_33, %scan3A_34 : i32
      %scan3A_36 = arith.constant 1 : i32
      %scan3A_37 = scf.for %scan3A_47 = %scan3A_33 to %scan3A_35 step %scan3A_36 iter_args(%scan3A_48 = %scan3A_32) -> (i32)  : i32 {
        %jit3A = arith.constant 5 : i32
        %div3A = arith.divsi %scan3A_47, %jit3A : i32
        %sign3A = arith.constant 0 : i32
        %sign3A_49 = arith.cmpi sgt, %scan3A_47, %sign3A : i32
        %sign3A_50 = arith.extui %sign3A_49 : i1 to i32
        %sign3A_51 = arith.constant 0 : i32
        %sign3A_52 = arith.cmpi slt, %scan3A_47, %sign3A_51 : i32
        %sign3A_53 = arith.extui %sign3A_52 : i1 to i32
        %sign3A_54 = arith.subi %sign3A_50, %sign3A_53 : i32
        %sign3A_55 = arith.constant 0 : i32
        %sign3A_56 = arith.cmpi sgt, %jit3A, %sign3A_55 : i32
        %sign3A_57 = arith.extui %sign3A_56 : i1 to i32
        %sign3A_58 = arith.constant 0 : i32
        %sign3A_59 = arith.cmpi slt, %jit3A, %sign3A_58 : i32
        %sign3A_60 = arith.extui %sign3A_59 : i1 to i32
        %sign3A_61 = arith.subi %sign3A_57, %sign3A_60 : i32
        %ne3A = arith.cmpi ne, %sign3A_54, %sign3A_61 : i32
        %rem3A = arith.remsi %scan3A_47, %jit3A : i32
        %ne3A_62 = arith.constant 0 : i32
        %ne3A_63 = arith.cmpi ne, %rem3A, %ne3A_62 : i32
        %and3A = arith.andi %ne3A, %ne3A_63 : i1
        %sub3A = arith.constant 1 : i32
        %sub3A_64 = arith.subi %div3A, %sub3A : i32
        %select_n3A = arith.select %and3A, %sub3A_64, %div3A : i32
        %jit3A_65 = arith.constant 5 : i32
        %eq3A_66 = arith.constant 0 : i32
        %eq3A_67 = arith.cmpi eq, %jit3A_65, %eq3A_66 : i32
        %jit3A_68 = arith.constant 1 : i32
        %select_n3A_69 = arith.select %eq3A_67, %jit3A_68, %jit3A_65 : i32
        %rem3A_70 = arith.remsi %scan3A_47, %select_n3A_69 : i32
        %ne3A_71 = arith.constant 0 : i32
        %ne3A_72 = arith.cmpi ne, %rem3A_70, %ne3A_71 : i32
        %lt3A_73 = arith.constant 0 : i32
        %lt3A_74 = arith.cmpi slt, %rem3A_70, %lt3A_73 : i32
        %lt3A_75 = arith.constant 0 : i32
        %lt3A_76 = arith.cmpi slt, %select_n3A_69, %lt3A_75 : i32
        %ne3A_77 = arith.xori %lt3A_74, %lt3A_76 : i1
        %and3A_78 = arith.andi %ne3A_77, %ne3A_72 : i1
        %add3A_79 = arith.addi %rem3A_70, %select_n3A_69 : i32
        %select_n3A_80 = arith.select %and3A_78, %add3A_79, %rem3A_70 : i32
        %mul3A_81 = arith.constant 16 : i32
        %mul3A_82 = arith.muli %scan3A_47, %mul3A_81 : i32
        %get3A = arith.index_cast %mul3A_82 : i32 to index
        %get3A_83 = tpu.vector_load %arg5[%get3A] {strides = array<i32>} : memref<2000xi32, #tpu.memory_space<vmem>>, vector<16xi32>,
        %get3A_84 = vector.shape_cast %get3A_83 : vector<16xi32> to vector<16xi32>
        %sub3A_85 = vector.broadcast %mul3A_0 : i32 to vector<16xi32>
        %sub3A_86 = arith.subi %get3A_84, %sub3A_85 : vector<16xi32>
        %ge3A = arith.constant 0 : i32
        %ge3A_87 = vector.broadcast %ge3A : i32 to vector<16xi32>
        %ge3A_88 = arith.cmpi sge, %sub3A_86, %ge3A_87 : vector<16xi32>
        %lt3A_89 = arith.constant 50000 : i32
        %lt3A_90 = vector.broadcast %lt3A_89 : i32 to vector<16xi32>
        %lt3A_91 = arith.cmpi slt, %sub3A_86, %lt3A_90 : vector<16xi32>
        %and3A_92 = arith.andi %ge3A_88, %lt3A_91 : vector<16xi1>
        %jit3A_93 = arith.constant 50000 : i32
        %broadcast_in_dim3A_94 = vector.broadcast %jit3A_93 : i32 to vector<16xi32>
        %select_n3A_95 = arith.select %and3A_92, %sub3A_86, %broadcast_in_dim3A_94 : vector<16xi1>, vector<16xi32>
        %mul3A_96 = arith.constant 16 : i32
        %mul3A_97 = arith.muli %select_n3A_80, %mul3A_96 : i32
        %swap3A = arith.index_cast %select_n3A : i32 to index
        %swap3A_98 = arith.index_cast %mul3A_97 : i32 to index
        %swap3A_99 = tpu.vector_load %arg7[%swap3A, %swap3A_98] {strides = array<i32>} : memref<25x80xi32, #tpu.memory_space<vmem>>, vector<1x16xi32>,
        %swap3A_100 = vector.shape_cast %swap3A_99 : vector<1x16xi32> to vector<16xi32>
        %swap3A_101 = vector.shape_cast %select_n3A_95 : vector<16xi32> to vector<1x16xi32>
        tpu.vector_store %arg7[%swap3A, %swap3A_98], %swap3A_101 {strides = array<i32>} : memref<25x80xi32, #tpu.memory_space<vmem>>, vector<1x16xi32>,
        %scan3A_102 = arith.constant 0 : i32
        scf.yield %scan3A_102 : i32
      }
      %scan3A_38 = arith.constant 125 : i32
      %scan3A_39 = arith.constant 0 : i32
      %scan3A_40 = arith.constant 0 : i32
      %scan3A_41 = arith.constant 25 : i32
      %scan3A_42 = arith.addi %scan3A_40, %scan3A_41 : i32
      %scan3A_43 = arith.constant 1 : i32
      %scan3A_44 = scf.for %scan3A_47 = %scan3A_40 to %scan3A_42 step %scan3A_43 iter_args(%scan3A_48 = %scan3A_39) -> (i32)  : i32 {
        %mul3A_49 = arith.constant 80 : i32
        %mul3A_50 = arith.muli %scan3A_47, %mul3A_49 : i32
        "tpu.region"() ({
          %run_scoped3A = tpu.sem_alloc : memref<!tpu.dma_semaphore, #tpu.memory_space<semaphore_mem>>
          %dma_start3A = arith.constant 0 : i32
          %dma_start3A_52 = tpu.memref_slice %arg6[%mul3A_50, %dma_start3A] : memref<2000x24xf32, #tpu.memory_space<vmem>> -> memref<80x24xf32, #tpu.memory_space<vmem>>
          %dma_start3A_53 = arith.constant 0 : i32
          %dma_start3A_54 = tpu.memref_slice %arg7[%scan3A_47, %dma_start3A_53] : memref<25x80xi32, #tpu.memory_space<vmem>> -> memref<1x80xi32, #tpu.memory_space<vmem>>
          %dma_start3A_55 = tpu.memref_squeeze %dma_start3A_54 : memref<1x80xi32, #tpu.memory_space<vmem>> -> memref<80xi32, #tpu.memory_space<vmem>>
          %dma_start3A_56 = arith.constant 0 : i32
          %dma_start3A_57 = arith.constant 0 : i32
          %dma_start3A_58 = tpu.memref_slice %arg8[%dma_start3A_56, %dma_start3A_57] : memref<50048x24xf32, #tpu.memory_space<vmem_shared>> -> memref<50048x24xf32, #tpu.memory_space<vmem_shared>>
          tpu.enqueue_indirect_dma source(%dma_start3A_52 : memref<80x24xf32, #tpu.memory_space<vmem>>) target(%dma_start3A_58 : memref<50048x24xf32, #tpu.memory_space<vmem_shared>>) offsets(%dma_start3A_55 : memref<80xi32, #tpu.memory_space<vmem>>) semaphore(%run_scoped3A : memref<!tpu.dma_semaphore, #tpu.memory_space<semaphore_mem>>) {add = true}
          %dma_wait3A = arith.constant 0 : i32
          %dma_wait3A_59 = tpu.memref_slice %arg6[%mul3A_50, %dma_wait3A] : memref<2000x24xf32, #tpu.memory_space<vmem>> -> memref<80x24xf32, #tpu.memory_space<vmem>>
          %dma_wait3A_60 = arith.constant 0 : i32
          %dma_wait3A_61 = tpu.memref_slice %arg7[%scan3A_47, %dma_wait3A_60] : memref<25x80xi32, #tpu.memory_space<vmem>> -> memref<1x80xi32, #tpu.memory_space<vmem>>
          %dma_wait3A_62 = tpu.memref_squeeze %dma_wait3A_61 : memref<1x80xi32, #tpu.memory_space<vmem>> -> memref<80xi32, #tpu.memory_space<vmem>>
          %dma_wait3A_63 = arith.constant 0 : i32
          %dma_wait3A_64 = arith.constant 0 : i32
          %dma_wait3A_65 = tpu.memref_slice %arg8[%dma_wait3A_63, %dma_wait3A_64] : memref<50048x24xf32, #tpu.memory_space<vmem_shared>> -> memref<50048x24xf32, #tpu.memory_space<vmem_shared>>
          tpu.wait_indirect_dma semaphore(%run_scoped3A : memref<!tpu.dma_semaphore, #tpu.memory_space<semaphore_mem>>) src(%dma_wait3A_59 : memref<80x24xf32, #tpu.memory_space<vmem>>) dst(%dma_wait3A_65 : memref<50048x24xf32, #tpu.memory_space<vmem_shared>>)
          tpu.yield
        }) : () -> ()
        %scan3A_51 = arith.constant 0 : i32
        scf.yield %scan3A_51 : i32
      }
      %scan3A_45 = arith.constant 25 : i32
      %scan3A_46 = arith.constant 0 : i32
      scf.yield %scan3A_46 : i32
    }
    %scan3A_19 = arith.constant 100 : i32
    %barrier3A_20 = arith.constant 0 : index
    tpu.barrier barrier_id(%barrier3A_20)
    %lt3A = arith.constant 15 : i32
    %lt3A_21 = arith.cmpi slt, %arg1, %lt3A : i32
    %convert_element_type3A = arith.extui %lt3A_21 : i1 to i32
    %cond3A = arith.constant 0 : i32
    %cond3A_22 = arith.cmpi ne, %convert_element_type3A, %cond3A : i32
    scf.if %cond3A_22 {
      %mul3A_27 = arith.constant 3200 : i32
      %mul3A_28 = arith.muli %arg1, %mul3A_27 : i32
      %mul3A_29 = arith.constant 50000 : i32
      %mul3A_30 = arith.muli %arg0, %mul3A_29 : i32
      %add3A_31 = arith.addi %mul3A_30, %mul3A_28 : i32
      "tpu.region"() ({
        %run_scoped3A = tpu.sem_alloc : memref<!tpu.dma_semaphore, #tpu.memory_space<semaphore_mem>>
        %dma_start3A = arith.constant 0 : i32
        %dma_start3A_32 = tpu.memref_slice %arg4[%add3A_31, %dma_start3A] : memref<100000x24xf32, #tpu.memory_space<hbm>> -> memref<3200x24xf32, #tpu.memory_space<hbm>>
        %dma_start3A_33 = arith.constant 0 : i32
        %dma_start3A_34 = tpu.memref_slice %arg8[%mul3A_28, %dma_start3A_33] : memref<50048x24xf32, #tpu.memory_space<vmem_shared>> -> memref<3200x24xf32, #tpu.memory_space<vmem_shared>>
        tpu.enqueue_dma source(%dma_start3A_34 : memref<3200x24xf32, #tpu.memory_space<vmem_shared>>) target(%dma_start3A_32 : memref<3200x24xf32, #tpu.memory_space<hbm>>) target_semaphore(%run_scoped3A : memref<!tpu.dma_semaphore, #tpu.memory_space<semaphore_mem>>)
        %dma_wait3A = arith.constant 0 : i32
        %dma_wait3A_35 = tpu.memref_slice %arg4[%add3A_31, %dma_wait3A] : memref<100000x24xf32, #tpu.memory_space<hbm>> -> memref<3200x24xf32, #tpu.memory_space<hbm>>
        %dma_wait3A_36 = arith.constant 0 : i32
        %dma_wait3A_37 = tpu.memref_slice %arg8[%mul3A_28, %dma_wait3A_36] : memref<50048x24xf32, #tpu.memory_space<vmem_shared>> -> memref<3200x24xf32, #tpu.memory_space<vmem_shared>>
        tpu.wait_dma2 semaphore(%run_scoped3A : memref<!tpu.dma_semaphore, #tpu.memory_space<semaphore_mem>>) src(%dma_wait3A_37 : memref<3200x24xf32, #tpu.memory_space<vmem_shared>>) dst(%dma_wait3A_35 : memref<3200x24xf32, #tpu.memory_space<hbm>>)
        tpu.yield
      }) : () -> ()
    } else {
    }
    %eq3A = arith.constant 15 : i32
    %eq3A_23 = arith.cmpi eq, %arg1, %eq3A : i32
    %convert_element_type3A_24 = arith.extui %eq3A_23 : i1 to i32
    %cond3A_25 = arith.constant 0 : i32
    %cond3A_26 = arith.cmpi ne, %convert_element_type3A_24, %cond3A_25 : i32
    scf.if %cond3A_26 {
      %mul3A_27 = arith.constant 50000 : i32
      %mul3A_28 = arith.muli %arg0, %mul3A_27 : i32
      %add3A_29 = arith.constant 48000 : i32
      %add3A_30 = arith.addi %mul3A_28, %add3A_29 : i32
      "tpu.region"() ({
        %run_scoped3A = tpu.sem_alloc : memref<!tpu.dma_semaphore, #tpu.memory_space<semaphore_mem>>
        %dma_start3A = arith.constant 0 : i32
        %dma_start3A_31 = tpu.memref_slice %arg4[%add3A_30, %dma_start3A] : memref<100000x24xf32, #tpu.memory_space<hbm>> -> memref<2000x24xf32, #tpu.memory_space<hbm>>
        %dma_start3A_32 = arith.constant 48000 : i32
        %dma_start3A_33 = arith.constant 0 : i32
        %dma_start3A_34 = tpu.memref_slice %arg8[%dma_start3A_32, %dma_start3A_33] : memref<50048x24xf32, #tpu.memory_space<vmem_shared>> -> memref<2000x24xf32, #tpu.memory_space<vmem_shared>>
        tpu.enqueue_dma source(%dma_start3A_34 : memref<2000x24xf32, #tpu.memory_space<vmem_shared>>) target(%dma_start3A_31 : memref<2000x24xf32, #tpu.memory_space<hbm>>) target_semaphore(%run_scoped3A : memref<!tpu.dma_semaphore, #tpu.memory_space<semaphore_mem>>)
        %dma_wait3A = arith.constant 0 : i32
        %dma_wait3A_35 = tpu.memref_slice %arg4[%add3A_30, %dma_wait3A] : memref<100000x24xf32, #tpu.memory_space<hbm>> -> memref<2000x24xf32, #tpu.memory_space<hbm>>
        %dma_wait3A_36 = arith.constant 48000 : i32
        %dma_wait3A_37 = arith.constant 0 : i32
        %dma_wait3A_38 = tpu.memref_slice %arg8[%dma_wait3A_36, %dma_wait3A_37] : memref<50048x24xf32, #tpu.memory_space<vmem_shared>> -> memref<2000x24xf32, #tpu.memory_space<vmem_shared>>
        tpu.wait_dma2 semaphore(%run_scoped3A : memref<!tpu.dma_semaphore, #tpu.memory_space<semaphore_mem>>) src(%dma_wait3A_38 : memref<2000x24xf32, #tpu.memory_space<vmem_shared>>) dst(%dma_wait3A_35 : memref<2000x24xf32, #tpu.memory_space<hbm>>)
        tpu.yield
      }) : () -> ()
    } else {
    }
    return
  }
}

module attributes {stable_mosaic.version = 14 : i64} {
  func.func @_dense_body(%arg0: i32, %arg1: memref<2000x128xf32, #tpu.memory_space<vmem>>, %arg2: memref<2000x24xf32, #tpu.memory_space<vmem>>, %arg3: memref<2000x1xf32, #tpu.memory_space<vmem>>, %arg4: memref<128x128xf32, #tpu.memory_space<vmem>>, %arg5: memref<24x128xf32, #tpu.memory_space<vmem>>, %arg6: memref<1x128xf32, #tpu.memory_space<vmem>>, %arg7: memref<1x128xf32, #tpu.memory_space<vmem>>, %arg8: memref<1x128xf32, #tpu.memory_space<vmem>>, %arg9: memref<2000x128xf32, #tpu.memory_space<vmem>>) attributes {dimension_semantics = [#tpu.dimension_semantics<arbitrary>], iteration_bounds = array<i64: 50>, scalar_prefetch = 0 : i64, scratch_operands = 0 : i64, tpu.core_type = #tpu.core_type<tc>, window_params = [{transform_indices = @transform_0, window_bounds = array<i64: 2000, 128>}, {transform_indices = @transform_1, window_bounds = array<i64: 2000, 24>}, {transform_indices = @transform_2, window_bounds = array<i64: 2000, 1>}, {pipeline_mode = #tpu.pipeline_mode<synchronous>, transform_indices = @transform_3, window_bounds = array<i64: 128, 128>}, {pipeline_mode = #tpu.pipeline_mode<synchronous>, transform_indices = @transform_4, window_bounds = array<i64: 24, 128>}, {pipeline_mode = #tpu.pipeline_mode<synchronous>, transform_indices = @transform_5, window_bounds = array<i64: 1, 128>}, {pipeline_mode = #tpu.pipeline_mode<synchronous>, transform_indices = @transform_6, window_bounds = array<i64: 1, 128>}, {pipeline_mode = #tpu.pipeline_mode<synchronous>, transform_indices = @transform_7, window_bounds = array<i64: 1, 128>}, {transform_indices = @transform_8, window_bounds = array<i64: 2000, 128>}]} {
    %get3A = arith.constant 0 : index
    %get3A_0 = arith.constant 0 : index
    %get3A_1 = vector.load %arg1[%get3A, %get3A_0] : memref<2000x128xf32, #tpu.memory_space<vmem>>, vector<2000x128xf32>
    %get3A_2 = arith.constant 0 : index
    %get3A_3 = arith.constant 0 : index
    %get3A_4 = vector.load %arg4[%get3A_2, %get3A_3] : memref<128x128xf32, #tpu.memory_space<vmem>>, vector<128x128xf32>
    %dot_general3A = arith.constant dense<0.000000e+00> : vector<2000x128xf32>
    %dot_general3A_5 = tpu.matmul %get3A_1, %get3A_4, %dot_general3A {dimension_numbers = #tpu.dot_dimension_numbers<[1], [0], [0], [1], [0, 0, 1, 1], [], []>, transpose_lhs_hint = false} : vector<2000x128xf32>, vector<128x128xf32>, vector<2000x128xf32> -> vector<2000x128xf32>
    %get3A_6 = arith.constant 0 : index
    %get3A_7 = arith.constant 0 : index
    %get3A_8 = vector.load %arg2[%get3A_6, %get3A_7] : memref<2000x24xf32, #tpu.memory_space<vmem>>, vector<2000x24xf32>
    %get3A_9 = arith.constant 0 : index
    %get3A_10 = arith.constant 0 : index
    %get3A_11 = vector.load %arg3[%get3A_9, %get3A_10] : memref<2000x1xf32, #tpu.memory_space<vmem>>, vector<2000x1xf32>
    %mul3A = vector.broadcast %get3A_11 : vector<2000x1xf32> to vector<2000x24xf32>
    %mul3A_12 = arith.mulf %get3A_8, %mul3A : vector<2000x24xf32>
    %get3A_13 = arith.constant 0 : index
    %get3A_14 = arith.constant 0 : index
    %get3A_15 = vector.load %arg5[%get3A_13, %get3A_14] : memref<24x128xf32, #tpu.memory_space<vmem>>, vector<24x128xf32>
    %dot_general3A_16 = arith.constant dense<0.000000e+00> : vector<2000x128xf32>
    %dot_general3A_17 = tpu.matmul %mul3A_12, %get3A_15, %dot_general3A_16 {dimension_numbers = #tpu.dot_dimension_numbers<[1], [0], [0], [1], [0, 0, 1, 1], [], []>, transpose_lhs_hint = false} : vector<2000x24xf32>, vector<24x128xf32>, vector<2000x128xf32> -> vector<2000x128xf32>
    %add3A = arith.addf %dot_general3A_5, %dot_general3A_17 : vector<2000x128xf32>
    %get3A_18 = arith.constant 0 : index
    %get3A_19 = arith.constant 0 : index
    %get3A_20 = vector.load %arg6[%get3A_18, %get3A_19] : memref<1x128xf32, #tpu.memory_space<vmem>>, vector<1x128xf32>
    %add3A_21 = vector.broadcast %get3A_20 : vector<1x128xf32> to vector<2000x128xf32>
    %add3A_22 = arith.addf %add3A, %add3A_21 : vector<2000x128xf32>
    %reduce_sum3A = arith.constant dense<0.000000e+00> : vector<2000xf32>
    %reduce_sum3A_23 = vector.multi_reduction <add>, %add3A_22, %reduce_sum3A [1] : vector<2000x128xf32> to vector<2000xf32>
    %broadcast_in_dim3A = vector.shape_cast %reduce_sum3A_23 : vector<2000xf32> to vector<2000x1xf32>
    %div3A = arith.constant 1.280000e+02 : f32
    %div3A_24 = vector.broadcast %div3A : f32 to vector<2000x1xf32>
    %div3A_25 = arith.divf %broadcast_in_dim3A, %div3A_24 : vector<2000x1xf32>
    %sub3A = vector.broadcast %div3A_25 : vector<2000x1xf32> to vector<2000x128xf32>
    %sub3A_26 = arith.subf %add3A_22, %sub3A : vector<2000x128xf32>
    %mul3A_27 = arith.mulf %sub3A_26, %sub3A_26 : vector<2000x128xf32>
    %reduce_sum3A_28 = arith.constant dense<0.000000e+00> : vector<2000xf32>
    %reduce_sum3A_29 = vector.multi_reduction <add>, %mul3A_27, %reduce_sum3A_28 [1] : vector<2000x128xf32> to vector<2000xf32>
    %broadcast_in_dim3A_30 = vector.shape_cast %reduce_sum3A_29 : vector<2000xf32> to vector<2000x1xf32>
    %div3A_31 = arith.constant 1.280000e+02 : f32
    %div3A_32 = vector.broadcast %div3A_31 : f32 to vector<2000x1xf32>
    %div3A_33 = arith.divf %broadcast_in_dim3A_30, %div3A_32 : vector<2000x1xf32>
    %add3A_34 = arith.constant 9.99999974E-6 : f32
    %add3A_35 = vector.broadcast %add3A_34 : f32 to vector<2000x1xf32>
    %add3A_36 = arith.addf %div3A_33, %add3A_35 : vector<2000x1xf32>
    %rsqrt3A = math.rsqrt %add3A_36 : vector<2000x1xf32>
    %mul3A_37 = vector.broadcast %rsqrt3A : vector<2000x1xf32> to vector<2000x128xf32>
    %mul3A_38 = arith.mulf %sub3A_26, %mul3A_37 : vector<2000x128xf32>
    %get3A_39 = arith.constant 0 : index
    %get3A_40 = arith.constant 0 : index
    %get3A_41 = vector.load %arg7[%get3A_39, %get3A_40] : memref<1x128xf32, #tpu.memory_space<vmem>>, vector<1x128xf32>
    %mul3A_42 = vector.broadcast %get3A_41 : vector<1x128xf32> to vector<2000x128xf32>
    %mul3A_43 = arith.mulf %mul3A_38, %mul3A_42 : vector<2000x128xf32>
    %get3A_44 = arith.constant 0 : index
    %get3A_45 = arith.constant 0 : index
    %get3A_46 = vector.load %arg8[%get3A_44, %get3A_45] : memref<1x128xf32, #tpu.memory_space<vmem>>, vector<1x128xf32>
    %add3A_47 = vector.broadcast %get3A_46 : vector<1x128xf32> to vector<2000x128xf32>
    %add3A_48 = arith.addf %mul3A_43, %add3A_47 : vector<2000x128xf32>
    %max3A = arith.constant 0.000000e+00 : f32
    %max3A_49 = vector.broadcast %max3A : f32 to vector<2000x128xf32>
    %max3A_50 = arith.maximumf %add3A_48, %max3A_49 : vector<2000x128xf32>
    %swap3A = arith.constant 0 : index
    %swap3A_51 = arith.constant 0 : index
    %swap3A_52 = vector.load %arg9[%swap3A, %swap3A_51] : memref<2000x128xf32, #tpu.memory_space<vmem>>, vector<2000x128xf32>
    tpu.vector_store %arg9[%swap3A, %swap3A_51], %max3A_50 {strides = array<i32>} : memref<2000x128xf32, #tpu.memory_space<vmem>>, vector<2000x128xf32>,
    return
  }
  func.func @transform_0(%arg0: i32) -> (i32, i32) {
    %c0_i32 = arith.constant 0 : i32
    %c0_i32_0 = arith.constant 0 : i32
    return %arg0, %c0_i32 : i32, i32
  }
  func.func @transform_1(%arg0: i32) -> (i32, i32) {
    %c0_i32 = arith.constant 0 : i32
    %c0_i32_0 = arith.constant 0 : i32
    return %arg0, %c0_i32 : i32, i32
  }
  func.func @transform_2(%arg0: i32) -> (i32, i32) {
    %c0_i32 = arith.constant 0 : i32
    %c0_i32_0 = arith.constant 0 : i32
    return %arg0, %c0_i32 : i32, i32
  }
  func.func @transform_3(%arg0: i32) -> (i32, i32) {
    %c0_i32 = arith.constant 0 : i32
    %c0_i32_0 = arith.constant 0 : i32
    %c0_i32_1 = arith.constant 0 : i32
    return %c0_i32, %c0_i32_0 : i32, i32
  }
  func.func @transform_4(%arg0: i32) -> (i32, i32) {
    %c0_i32 = arith.constant 0 : i32
    %c0_i32_0 = arith.constant 0 : i32
    %c0_i32_1 = arith.constant 0 : i32
    return %c0_i32, %c0_i32_0 : i32, i32
  }
  func.func @transform_5(%arg0: i32) -> (i32, i32) {
    %c0_i32 = arith.constant 0 : i32
    %c0_i32_0 = arith.constant 0 : i32
    %c0_i32_1 = arith.constant 0 : i32
    return %c0_i32, %c0_i32_0 : i32, i32
  }
  func.func @transform_6(%arg0: i32) -> (i32, i32) {
    %c0_i32 = arith.constant 0 : i32
    %c0_i32_0 = arith.constant 0 : i32
    %c0_i32_1 = arith.constant 0 : i32
    return %c0_i32, %c0_i32_0 : i32, i32
  }
  func.func @transform_7(%arg0: i32) -> (i32, i32) {
    %c0_i32 = arith.constant 0 : i32
    %c0_i32_0 = arith.constant 0 : i32
    %c0_i32_1 = arith.constant 0 : i32
    return %c0_i32, %c0_i32_0 : i32, i32
  }
  func.func @transform_8(%arg0: i32) -> (i32, i32) {
    %c0_i32 = arith.constant 0 : i32
    %c0_i32_0 = arith.constant 0 : i32
    return %arg0, %c0_i32 : i32, i32
  }
}

</mosaic_0001>

<sc_bundles>
// kernel: kernel.4.cloned.1.call-start
scs
__scs_entry_jumppad:
0x0: {  	(pc) =	sbr.rel $0x88, $3  }
0x1: {  	(tag) =	ssettag $0x0;
	lr =	simm.s32 $0x1  }
0x2: {  	[smem:$0x3F99] =	sst lr;
	_ =	strace $0xD0000000  }
0x3: {  	_ = 	snop  }
0x4: {  	_ = 	snop  }
0x5: {  	_ = 	snop  }
0x6: {  	_ = 	snop  }
0x7: {  	_ = 	snop  }
__scs_overlays_trampoline_lowered:
0x8: {  	[smem:$0x3FA8] =	sst s0  }
0x9: {  	[smem:$0x3FA9] =	sst s1  }
0xa: {  	[smem:$0x3FAA] =	sst s2  }
0xb: {  	[smem:$0x3FAB] =	sst s3  }
0xc: {  	[smem:$0x3FAC] =	sst s4  }
0xd: {  	[smem:$0x3FAD] =	sst s5  }
0xe: {  	[smem:$0x3FAE] =	sst s6  }
0xf: {  	[smem:$0x3FAF] =	sst s7  }
0x10: {  	[smem:$0x3FB0] =	sst s8  }
0x11: {  	[smem:$0x3FB1] =	sst s9;
	s0 =	simm.s32 @!p0 $0x0  }
0x12: {  	s1 =	sld [smem:$0x3F97];
	s0 =	simm.s32 @p0 $0x1  }
0x13: {  	[smem:$0x3FB2] =	sst s0;
	s0 =	simm.s32 @!p1 $0x0  }
0x14: {  	s2 =	sld [smem:$0x3F96];
	s0 =	simm.s32 @p1 $0x1  }
0x15: {  	[smem:$0x3FB3] =	sst s0;
	s0 =	simm.s32 @!p2 $0x0  }
0x16: {  	s3 =	sld [smem:$0x3FDB];
	s0 =	simm.s32 @p2 $0x1  }
0x17: {  	s4 =	simm.s32 $0x1BF5;
	[smem:$0x3FB5] =	sst s0  }
0x18: {  	s0 =	sld [smem:$0x3F98];
	_ =	swait.ge [sflag:s4], $0x0  }
0x19: {  	s7 =	sld [smem:$0x3F99]  }
0x1a: {  	s8 =	sadd.s32 $0xFFFFE003, lr  }
0x1b: {  	s9 =	sadd.s32 $0xFFFFFEF7, lr;
	s5 =	simm.s32 $0xFFFFFFFF;
	p2 =	slt.u32 s8, $0xFFFFF086  }
0x1c: {  	p1 =	slt.u32 s9, $0xF7A;
	s5 =	simm.s32 @!p2 $0x0  }
0x1d: {  	s5 =	simm.s32 @p1 $0x1;
	p0 =	seq.s32 s7, s2  }
0x1e: {  	s7 =	smul.u32 @!p0 $0xF7A, s2;
	p2 =	seq.s32 @!p0 s5, $0x0  }
0x1f: {  	s9 =	smul.u32 $0xF7A, s1;
	s8 =	simm.s32 @!p0 $0x1BF5;
	p2 =	por !p2, p0  }
0x20: {  	[sflag:s8] =	ssyncset.s32 @!p0 $0xFFFFF086;
	s6 =	sadd.s32 @!p0 s3, s7;
	s7 =	simm.s32 @!p0 $0x108  }
0x21: {  	s3 =	sadd.s32 s3, s9;
	s6 =	sadd.s32 @!p0 $0x88, s6;
	s7 =	simm.s32 @p2 $0x1082  }
0x22: {  	[simem:s7], [sflag:s8] =	dma.local @!p0 [hbm:s6], $0xF7A  }
0x23: {  	s9 =	sor.u32 $0xD0000000, s2;
	s6 =	simm.s32 $0x108;
	_ =	swait.ge @!p0 [sflag:s8], $0x0  }
0x24: {  	s3 =	sadd.s32 $0x88, s3;
	s6 =	simm.s32 @!p1 $0x1082;
	[sflag:s4] =	ssyncset.s32 $0xFFFFF086  }
0x25: {  	[simem:s6], [sflag:s4] =	dma.local [hbm:s3], $0xF7A  }
0x26: {  	[smem:$0x3F99] =	sst s1;
	(tag) =	ssettag s2;
	_ =	strace s9  }
0x27: {  	s1 =	sld [smem:$0x3FA9]  }
0x28: {  	s2 =	sld [smem:$0x3FAA]  }
0x29: {  	s4 =	sld [smem:$0x3FAC]  }
0x2a: {  	p0 =	seq.s32 s5, $0x0;
	s5 =	sld [smem:$0x3FAD]  }
0x2b: {  	s6 =	sld [smem:$0x3FAE]  }
0x2c: {  	s7 =	sld [smem:$0x3FAF]  }
0x2d: {  	s3 =	simm.s32 $0x108;
	s8 =	sld [smem:$0x3FB0]  }
0x2e: {  	s3 =	simm.s32 @!p0 $0x1082;
	s9 =	sld [smem:$0x3FB1]  }
0x2f: {  	lr =	sadd.s32 s0, s3;
	s0 =	sld [smem:$0x3FA8]  }
0x30: {  	s3 =	sld [smem:$0x3FAB]  }
0x31: {  	[smem:$0x3FB4] =	sst s10  }
0x32: {  	s10 =	sld [smem:$0x3FB2];
	_ =	sdelay $0x3  }
0x33: {  	p0 =	seq.s32 s10, $0x1;
	s10 =	sld [smem:$0x3FB4];
	_ =	sdelay $0x3  }
0x34: {  	[smem:$0x3FB4] =	sst s10  }
0x35: {  	s10 =	sld [smem:$0x3FB3];
	_ =	sdelay $0x3  }
0x36: {  	p1 =	seq.s32 s10, $0x1;
	s10 =	sld [smem:$0x3FB4];
	_ =	sdelay $0x3  }
0x37: {  	[smem:$0x3FB4] =	sst s10  }
0x38: {  	s10 =	sld [smem:$0x3FB5]  }
0x39: {  	_ = 	snop;
	(pc) =	sbr.ind lr, $3  }
0x3a: {  	_ = 	snop  }
0x3b: {  	_ = 	snop  }
0x3c: {  	p2 =	seq.s32 s10, $0x1;
	s10 =	sld [smem:$0x3FB4]  }
0x3d: {  	_ =	shalt  }
0x3e: {  	_ =	shalt  }
0x3f: {  	_ =	shalt  }
0x40: {  	_ =	shalt  }
0x41: {  	_ =	shalt  }
0x42: {  	_ =	shalt  }
0x43: {  	_ =	shalt  }
0x44: {  	_ =	shalt  }
0x45: {  	_ =	shalt  }
0x46: {  	_ =	shalt  }
0x47: {  	_ =	shalt  }
0x48: {  	_ =	shalt  }
0x49: {  	_ =	shalt  }
0x4a: {  	_ =	shalt  }
0x4b: {  	_ =	shalt  }
0x4c: {  	_ =	shalt  }
0x4d: {  	_ =	shalt  }
0x4e: {  	_ =	shalt  }
0x4f: {  	_ =	shalt  }
0x50: {  	_ =	shalt  }
0x51: {  	_ =	shalt  }
0x52: {  	_ =	shalt  }
0x53: {  	_ =	shalt  }
0x54: {  	_ =	shalt  }
0x55: {  	_ =	shalt  }
0x56: {  	_ =	shalt  }
0x57: {  	_ =	shalt  }
0x58: {  	_ =	shalt  }
0x59: {  	_ =	shalt  }
0x5a: {  	_ =	shalt  }
0x5b: {  	_ =	shalt  }
0x5c: {  	_ =	shalt  }
0x5d: {  	_ =	shalt  }
0x5e: {  	_ =	shalt  }
0x5f: {  	_ =	shalt  }
0x60: {  	_ =	shalt  }
0x61: {  	_ =	shalt  }
0x62: {  	_ =	shalt  }
0x63: {  	_ =	shalt  }
0x64: {  	_ =	shalt  }
0x65: {  	_ =	shalt  }
0x66: {  	_ =	shalt  }
0x67: {  	_ =	shalt  }
0x68: {  	_ =	shalt  }
0x69: {  	_ =	shalt  }
0x6a: {  	_ =	shalt  }
0x6b: {  	_ =	shalt  }
0x6c: {  	_ =	shalt  }
0x6d: {  	_ =	shalt  }
0x6e: {  	_ =	shalt  }
0x6f: {  	_ =	shalt  }
0x70: {  	_ =	shalt  }
0x71: {  	_ =	shalt  }
0x72: {  	_ =	shalt  }
0x73: {  	_ =	shalt  }
0x74: {  	_ =	shalt  }
0x75: {  	_ =	shalt  }
0x76: {  	_ =	shalt  }
0x77: {  	_ =	shalt  }
0x78: {  	_ =	shalt  }
0x79: {  	_ =	shalt  }
0x7a: {  	_ =	shalt  }
0x7b: {  	_ =	shalt  }
0x7c: {  	_ =	shalt  }
0x7d: {  	_ =	shalt  }
0x7e: {  	_ =	shalt  }
0x7f: {  	_ =	shalt  }
0x80: {  	_ =	shalt  }
0x81: {  	_ =	shalt  }
0x82: {  	_ =	shalt  }
0x83: {  	_ =	shalt  }
0x84: {  	_ =	shalt  }
0x85: {  	_ =	shalt  }
0x86: {  	_ =	shalt  }
0x87: {  	_ =	shalt  }
.Lfunc_end0:
.L_simem_size_0:
called_computation_lowered:
.L_overlay_start_0:
0x88: {  	s2 =	sld [smem:$0x3FD9]  }
0x89: {  	s3 =	sld [smem:$0x3FFE];
	_ =	sdelay $0x1  }
0x8a: {  	s1 =	srdreg.scid  }
0x8b: {  	s0 =	sand.u32 $0x1, s1  }
0x8c: {  	s17 =	sshll.u32 s0, $0xA;
	s2 =	sadd.s32 s3, s2  }
0x8d: {  	s2 =	sadd.s32 s2, s17  }
0x8e: {  	[smem:$0x3FC0] =	sst s2  }
0x8f: {  	_ = 	snop  }
0x90: {  	s2 =	sld [smem:$0x3FD0];
	(tm) =	ssettm $0x1  }
0x91: {  	s18 =	sld [smem:$0x3FFB];
	_ =	sdelay $0x3  }
0x92: {  	_ =	strace s18  }
0x93: {  	s3 =	sld [smem:$0x3FFC];
	_ =	sdelay $0x3  }
0x94: {  	_ =	strace s3  }
0x95: {  	s3 =	sld [smem:$0x3FFD];
	_ =	sdelay $0x3  }
0x96: {  	_ =	strace s3  }
0x97: {  	_ =	strace $0x8FFFFFFF  }
0x98: {  	s19 =	sld [smem:$0x3FDB];
	_ =	sdelay $0x1  }
0x99: {  	s4 =	simm.s32 $_scs_section_size  }
0x9a: {  	s5 =	simm.s32 $_size__tile_overlayer_lowered;
	s6 =	simm.s32 $_tile_overlayer_lowered  }
0x9b: {  	s22 =	simm.s32 $0x1BFF;
	s21 =	sshll.u32 s6, $0x1;
	s3 =	sadd.s32 s4, s19  }
0x9c: {  	s7 =	simm.s32 $0x0;
	s20 =	sshll.u32 s5, $0x1;
	s5 =	sadd.s32 s21, s3  }
0x9d: {  	[timem:s7], [sflag:s22] =	dma.local [hbm:s5], s20  }
0x9e: {  	_ =	swait.ge [sflag:s22], s20  }
0x9f: {  	s4 =	ssub.s32 $0x0, s20;
	[sflag:s22] =	ssyncset.done $0x0  }
0xa0: {  	[sflag:s22] =	ssyncadd.s32 s4;
	_ =	sdelay $0x1  }
0xa1: {  	s23 =	simm.s32 $0x1B8B  }
0xa2: {  	_ =	swait.ge [sflag:s23], $0x1  }
0xa3: {  	[sflag:s23] =	ssyncset.done $0x0  }
0xa4: {  	s25 =	simm.s32 $0x1B8E;
	s24 =	sld [smem:$0x3FFE];
	[sflag:s23] =	ssyncadd.s32 $0xFFFFFFFF  }
0xa5: {  	s26 =	simm.s32 $execute0_lowered;
	[smem:$0x3FD2] =	sst s25  }
0xa6: {  	s5 =	sshll.u32 s26, $0x1;
	_ =	strace $0x80000046;
	[dreg:$0x1] =	wrdreg $0xFFFFFFFF  }
0xa7: {  	s28 =	simm.s32 $_size_execute0_lowered;
	s3 =	sadd.s32 s3, s5;
	[dreg:$0x0] =	wrdreg $0x0  }
0xa8: {  	s5 =	sshll.u32 s28, $0x1;
	[dreg:$0x2] =	wrdreg s3  }
0xa9: {  	[dreg:$0x3] =	wrdreg s5  }
0xaa: {  	[dreg:$0x4] =	wrdreg $0xC0  }
0xab: {  	_ =	task [dreg:s7], $0x5FFFF  }
0xac: {  	[dreg:$0x1] =	wrdreg $0xFFFFFFFF  }
0xad: {  	[dreg:$0x0] =	wrdreg $0x60  }
0xae: {  	[dreg:$0x2] =	wrdreg s24  }
0xaf: {  	[dreg:$0x3] =	wrdreg s2  }
0xb0: {  	[dreg:$0x4] =	wrdreg $0xCB200  }
0xb1: {  	[dreg:$0x5] =	wrdreg $0x9  }
0xb2: {  	_ =	task.clear_ibuf [dreg:s7], $0x6FFFF;
	_ =	strace $0x90000046  }
0xb3: {  	s29 =	simm.s32 $0x9;
	_ =	strace $0x80000048  }
0xb4: {  	_ =	swait.ge [sflag:s29], $0x1  }
0xb5: {  	[sflag:s29] =	ssyncadd.s32 $0xFFFFFFFF  }
0xb6: {  	_ =	strace $0x90000048  }
0xb7: {  	_ =	sfence  }
0xb8: {  	s30 =	sld [smem:$0x0];
	_ =	sdelay $0x2  }
0xb9: {  	s31 =	sshll.u32 s1, $0xD;
	s1 =	sshrl.u32 s1, $0x2  }
0xba: {  	s3 =	sand.u32 $0x4000, s31;
	s1 =	sadd.s32 s1, s30  }
0xbb: {  	s0 =	sor.u32 s3, s0;
	s1 =	sshll.u32 s1, $0x11  }
0xbc: {  	s0 =	sor.u32 s1, s0  }
0xbd: {  	s0 =	sadd.s32 $0x8F2B, s0  }
0xbe: {  	[sflag:s0] =	ssyncadd.remote.s32 $0x1  }
0xbf: {  	_ =	sfence.sel $0xFFFF  }
0xc0: {  	[dreg:$0x0] =	wrdreg $0xFFFFFFFF;
	(pc) =	sbr.abs _section_cstart, $3  }
0xc1: {  	[dreg:$0x1] =	wrdreg $0xFFFFFFFF  }
0xc2: {  	_ =	task.clear_ibuf [dreg:s7], $0x2FFFF;
	_ =	strace $0x9FFFFFFF  }
0xc3: {  	(tm) =	ssettm $0x7FFFFFFF  }
tec
execute0_lowered:
.L_overlay_start_1:
0x0: {  	(tag) =	ssettag $0x1  }
0x1: {  	s6 =	rddreg [dreg:$0x0]  }
0x2: {  	s1 =	rddreg [dreg:$0x1]  }
0x3: {  	s2 =	rddreg [dreg:$0x2]  }
0x4: {  	s0 =	rddreg [dreg:$0x3];
	s4 =	simm.s32 $0x0;
	s3 =	srdreg.scid  }
0x5: {  	[smem:$0x7FF] =	sst s4;
	s7 =	sand.u32 $0x1, s3  }
0x6: {  	s3 =	stileid.u32;
	s14 =	smul.u32 $0xC350, s7  }
0x7: {  	s5 =	sadd.s32 $0x30D5000, s6;
	s15 =	sadd.s32 $0x119400, s2;
	s8 =	smul.u32 $0x49500, s3  }
0x8: {  	s10 =	sadd.s32 $0x1000, s6;
	_ =	strace $0x80000047;
	s11 =	smul.u32 $0xC80, s3  }
0x9: {  	s9 =	ssub.s32 $0x2, s7;
	s13 =	smul.u32 $0x4B000, s3;
	p0 =	seq.s32 s3, $0xF  }
0xa: {  	s30 =	smul.u32 $0x124F80, s7;
	s12 =	sshrl.u32 s9, $0x1;
	s15 =	sshrl.u32 @p0 s15, $0x3  }
0xb: {  	s28 =	sshrl.u32 s8, $0x2;
	s29 =	sadd.s32 s11, s14;
	s12 =	ssub.s32 s9, s12  }
0xc: {  	s8 =	smul.u32 $0x30D40, s3;
	s13 =	sshrl.u32 s13, $0x2;
	s11 =	sshrl.u32 s30, $0x3  }
0xd: {  	v0 =	vmov s14;
	s14 =	simm.s32 $0x50;
	s6 =	sadd.s32 s28, s2;
	s31 =	smul.u32 $0x3, s29  }
0xe: {  	s16 =	sadd.s32 s13, s2;
	s13 =	simm.s32 $0x1;
	s7 =	sadd.s32 $0xBB80, s6  }
0xf: {  	s16 =	sshrl.u32 @!p0 s16, $0x3;
	s9 =	sadd.s32 s10, s31;
	s10 =	sadd.s32 s10, s11  }
0x10: {  	v1 =	vimm.f32 $0.0e+00;
	s11 =	smax.u32 s12, $0x1;
	s12 =	simm.s32 $0x7D0;
	s10 =	sadd.s32 $0x23280, s10  }
.LBB2_1:
0x11: {  	s18 =	simm.s32 $0x0  }
0x12: {  	s17 =	simm.s32 $0x60;
	[tilespmem:s18+$0x7D0] =	vst v1  }
.LBB2_2:
0x13: {  	p1 =	sne.s32 s17, $0x2EDA0;
	[tilespmem:s18+$0x7D8] =	vst v1;
	s18 =	smov.u32 s17;
	s17 =	sadd.s32 $0x60, s17  }
.Ltmp0:
0x14: {  	(pc) =	sbr.rel @p1 .LBB2_2-.Ltmp0, $3  }
0x15: {  	_ =	sdelay $0x1  }
0x16: {  	s18 =	sshra.s32 s18, $0x2  }
0x17: {  	[tilespmem:s18+$0x7D0] =	vst v1  }
0x18: {  	[tilespmem:s18+$0x7D8] =	vst v1  }
0x19: {  	[spmem:s6] =	stream.linear.scatter [tilespmem:s12], [sflag:$0x1], $0xBB80, $0x38;
	[tilespmem:$0x1F060] =	vst v63  }
0x1a: {  	_ =	swait.ge [sflag:s13], $0xBB80  }
0x1b: {  	[sflag:s13] =	ssyncset.done $0x0  }
0x1c: {  	[sflag:s13] =	ssyncadd.s32 $0xFFFF4480  }
0x1d: {  	[spmem:s7] =	stream.linear.scatter [tilespmem:s12], [sflag:$0x1], $0x69C0, $0x38;
	[tilespmem:$0x1F060] =	vst v63  }
0x1e: {  	_ =	swait.ge [sflag:s13], $0x69C0  }
0x1f: {  	[sflag:s13] =	ssyncset.done $0x0  }
0x20: {  	[sflag:s13] =	ssyncadd.s32 $0xFFFF9640  }
0x21: {  	s17 =	simm.s32 $0x0;
	s18 =	simm.s32 $0x0;
	[bflag:$0x0] =	sbarrier.arrive $0xFFFF  }
.LBB2_4:
0x22: {  	s19 =	smul.u32 $0x7D0, s18;
	_ =	sdelay $0x1  }
0x23: {  	s19 =	sadd.s32 s8, s19  }
0x24: {  	s20 =	sshrl.u32 s19, $0x3  }
0x25: {  	s20 =	sadd.s32 s1, s20  }
0x26: {  	[tilespmem:s17], [sflag:$0x1] =	stream.linear.gather [hbm4b:s20+s17], $0x7D0, $0x38;
	[tilespmem:$0x1F060] =	vst v63  }
0x27: {  	s19 =	smul.u32 $0x3, s19;
	_ =	swait.ge [sflag:s13], $0x7D0  }
0x28: {  	[sflag:s13] =	ssyncset.done $0x0  }
0x29: {  	s19 =	sadd.s32 s5, s19;
	[sflag:s13] =	ssyncadd.s32 $0xFFFFF830  }
0x2a: {  	[tilespmem:s12], [sflag:$0x1] =	stream.linear.gather [hbm4b:s19+s17], $0xBB80, $0x38;
	[tilespmem:$0x1F060] =	vst v63  }
0x2b: {  	s30 =	smul.u32 $0xCD, s17;
	_ =	swait.ge [sflag:s13], $0xBB80  }
0x2c: {  	[sflag:s13] =	ssyncset.done $0x0  }
0x2d: {  	s19 =	sshrl.u32 s30, $0xA;
	[sflag:s13] =	ssyncadd.s32 $0xFFFF4480  }
0x2e: {  	s31 =	sand.u32 $0x3F, s19;
	v2 =	vld [tilespmem:s17+$0x0]  }
0x2f: {  	s21 =	smul.u32 $0x5, s31  }
0x30: {  	s20 =	smul.u32 $0x140, s31  }
0x31: {  	s19 =	simm.s32 $0x1;
	s21 =	ssub.s32 $0x0, s21  }
0x32: {  	s22 =	smul.u32 $0xCD, s19;
	s23 =	sshrl.u32 s20, $0x2;
	s24 =	sand.u32 $0xFF, s21  }
0x33: {  	s20 =	simm.s32 $0x0;
	s21 =	simm.s32 $0x2;
	s24 =	sshll.u32 s24, $0x4;
	v2 =	vsub.s32 v2, v0  }
.LBB2_5:
0x34: {  	p1 =	sne.s32 s21, $0x7C;
	v2 =	vmin.u32 v2, $0xC350;
	s23 =	sadd.s32 s24, s23;
	s22 =	sshrl.u32 s22, $0xA  }
0x35: {  	s20 =	sadd.s32 $0x10, s20;
	[tilespmem:s23+$0xC350] =	vst v2;
	s22 =	sand.u32 $0x3F, s22  }
0x36: {  	v2 =	vld [tilespmem:s20+$0x0];
	s23 =	smul.u32 $0x5, s22  }
.Ltmp1:
0x37: {  	(pc) =	sbr.rel @p1 .LBB2_5-.Ltmp1, $4  }
0x38: {  	_ = 	snop  }
0x39: {  	s24 =	smul.u32 $0x140, s22;
	s23 =	ssub.s32 s19, s23;
	s19 =	smov.u32 s21  }
0x3a: {  	s22 =	smul.u32 $0xCD, s21;
	s25 =	sand.u32 $0xFF, s23  }
0x3b: {  	s21 =	sadd.s32 $0x1, s21;
	s23 =	sshrl.u32 s24, $0x2;
	s24 =	sshll.u32 s25, $0x4;
	v2 =	vsub.s32 v2, v0  }
0x3c: {  	v2 =	vmin.u32 v2, $0xC350;
	s21 =	sadd.s32 s24, s23  }
0x3d: {  	s22 =	sshrl.u32 s22, $0xA;
	s20 =	sadd.s32 $0x10, s20;
	[tilespmem:s21+$0xC350] =	vst v2  }
0x3e: {  	s28 =	sand.u32 $0x3F, s22;
	v2 =	vld [tilespmem:s20+$0x0]  }
0x3f: {  	s29 =	smul.u32 $0x5, s28;
	_ =	sdelay $0x1  }
0x40: {  	s30 =	smul.u32 $0x140, s28;
	s19 =	ssub.s32 s19, s29  }
0x41: {  	s19 =	sand.u32 $0xFF, s19  }
0x42: {  	s20 =	sshrl.u32 s30, $0x2;
	s19 =	sshll.u32 s19, $0x4;
	v2 =	vsub.s32 v2, v0  }
0x43: {  	s19 =	sadd.s32 s19, s20;
	v2 =	vmin.u32 v2, $0xC350  }
0x44: {  	s31 =	simm.s32 $0xC350;
	[tilespmem:s19+$0xC350] =	vst v2;
	s19 =	simm.s32 $0x7D0  }
0x45: {  	[spmem:s2] =	stream.indirect.scatter.add.f32 [tilespmem:s19], [sflag:$0x1], $0x18, s31, s14, $0xb8;
	[tilespmem:$0x1F060] =	vst v63  }
0x46: {  	s20 =	simm.s32 $0x140;
	_ =	swait.ge [sflag:s13], $0x780  }
.LBB2_7:
0x47: {  	s21 =	sshra.s32 s20, $0x2  }
0x48: {  	[sflag:s13] =	ssyncset.done $0x0;
	s19 =	sadd.s32 $0x780, s19;
	p1 =	sne.s32 s20, $0x1E00  }
.Ltmp2:
0x49: {  	s21 =	sadd.s32 $0xC350, s21;
	[sflag:s13] =	ssyncadd.s32 $0xFFFFF880;
	(pc) =	sbr.rel @p1 .LBB2_7-.Ltmp2, $3  }
0x4a: {  	[spmem:s2] =	stream.indirect.scatter.add.f32 [tilespmem:s19], [sflag:$0x1], $0x18, s21, s14, $0xb8;
	[tilespmem:$0x1F060] =	vst v63  }
0x4b: {  	s20 =	sadd.s32 $0x140, s20;
	_ =	sdelay $0x1  }
0x4c: {  	_ =	swait.ge [sflag:s13], $0x780  }
0x4d: {  	s18 =	sadd.s32 $0x1, s18  }
0x4e: {  	p1 =	sne.s32 s18, $0x64  }
.Ltmp3:
0x4f: {  	_ = 	snop;
	(pc) =	sbr.rel @p1 .LBB2_4-.Ltmp3, $3  }
0x50: {  	_ =	sdelay $0x1  }
0x51: {  	[sflag:s13] =	ssyncset.done $0x0  }
0x52: {  	[sflag:s13] =	ssyncadd.s32 $0xFFFFF880  }
0x53: {  	[bflag:$0x0] =	sbarrier.arrive $0xFFFF;
	s17 =	simm.s32 @p0 $0x1FC1  }
0x54: {  	[hbm:s10], [sflag:s17] =	dma.local @p0 [spmem:s15], $0x1770  }
0x55: {  	s17 =	simm.s32 @p0 $0x1  }
0x56: {  	_ =	swait.ge @p0 [sflag:s17], $0x1770  }
0x57: {  	s18 =	sshll.u32 @!p0 s3, $0x6;
	s4 =	sadd.s32 $0x1, s4;
	[sflag:s17] =	ssyncset.done @p0 $0x0  }
0x58: {  	p1 =	sne.s32 s4, s11;
	[sflag:s17] =	ssyncadd.s32 @p0 $0xFFFFE890;
	s17 =	sor.u32 @!p0 $0x1C01, s18  }
0x59: {  	[hbm:s9], [sflag:s17] =	dma.local @!p0 [spmem:s16], $0x2580  }
.Ltmp4:
0x5a: {  	_ = 	snop;
	(pc) =	sbr.rel @p1 .LBB2_1-.Ltmp4, $4  }
0x5b: {  	s17 =	simm.s32 @!p0 $0x1  }
0x5c: {  	_ =	swait.ge @!p0 [sflag:s17], $0x2580  }
0x5d: {  	[sflag:s17] =	ssyncset.done @!p0 $0x0  }
0x5e: {  	[sflag:s17] =	ssyncadd.s32 @!p0 $0xFFFFDA80  }
0x5f: {  	_ =	sfence.sel $0x180000  }
0x60: {  	[bflag:$0x0] =	sbarrier.arrive $0xFFFF  }
0x61: {  	p0 =	sne.s32 s3, $0x0;
	_ =	strace $0x90000047  }
0x62: {  	s0 =	sadd.s32 @!p0 $0x100000, s0;
	[bflag:$0x2] =	sbarrier.arrive $0xFFFF  }
0x63: {  	[sflag:s0] =	ssyncadd.tile.s32 @!p0 $0x1;
	_ =	shalt  }
.Lfunc_end2:
_tile_overlayer_lowered:
.L_overlay_start_2:
0x64: {  	(tag) =	ssettag $0x2  }
0x65: {  	s0 =	rddreg [dreg:$0x0];
	s2 =	stileid.u32  }
0x66: {  	s1 =	rddreg [dreg:$0x1];
	p0 =	sne.s32 s2, $0x0  }
0x67: {  	s3 =	rddreg [dreg:$0x2];
	[bflag:$0x3] =	sbarrier.arrive $0xFFFF;
	s2 =	simm.s32 @!p0 $0x1C01  }
0x68: {  	[timem:s3], [sflag:s2] =	dma.local @!p0 [hbm:s0], s1  }
0x69: {  	s0 =	simm.s32 @!p0 $0x1  }
0x6a: {  	_ =	swait.ge @!p0 [sflag:s0], s1  }
0x6b: {  	s1 =	ssub.s32 @!p0 $0x0, s1;
	[sflag:s0] =	ssyncset.done @!p0 $0x0  }
0x6c: {  	[sflag:s0] =	ssyncadd.s32 @!p0 s1  }
0x6d: {  	[bflag:$0x3] =	sbarrier.arrive $0xFFFF  }
0x6e: {  	_ =	shalt  }

</sc_bundles>
